<compile_context>
chip_gen: v7x
topology: tpu7x:2x2x1
jax: 0.10.2.dev20260603
libtpu: 0.0.44.dev20260713+nightly
codegen_flags: <defaults>
</compile_context>

<pallas_src>
import functools

import jax
import jax.numpy as jnp
from jax import lax
from jax.experimental import pallas as pl
from jax.experimental.pallas import tpu as pltpu
from jax.experimental.pallas import tpu_sc as plsc

N_NODES = 10000
N_EDGES = 320000
D_FEAT = 128
HIDDEN = 128
BN_EPS = 1e-5

NC = 2
NS = 16
NW = NC * NS
E_PER_W = N_EDGES // NW
CHUNK = 80
NCH = 125
E_PAD_W = NCH * CHUNK
ROWS_PER_TILE = 640
PAD_ROWS = ROWS_PER_TILE * NS

_mesh = plsc.VectorSubcoreMesh(core_axis_name="c", subcore_axis_name="s")


@functools.partial(
    pl.kernel,
    mesh=_mesh,
    out_type=jax.ShapeDtypeStruct((NC * PAD_ROWS, D_FEAT), jnp.float32),
    scratch_types=[
        pltpu.VMEM((E_PAD_W,), jnp.int32),
        pltpu.VMEM((NCH, CHUNK), jnp.int32),
        pltpu.VMEM((CHUNK, D_FEAT), jnp.float32),
        pltpu.VMEM((CHUNK, D_FEAT), jnp.float32),
        pltpu.VMEM_SHARED((PAD_ROWS, D_FEAT), jnp.float32),
        pltpu.SemaphoreType.DMA,
        pltpu.SemaphoreType.DMA,
    ],
)
def _agg_kernel(x_hbm, src_hbm, dst_hbm, zeros_hbm, out_hbm,
                src_v, dst_v, rows0_v, rows1_v, acc_sh, sem0, sem1):
    c = lax.axis_index("c")
    s = lax.axis_index("s")
    wid = s * NC + c

    pltpu.sync_copy(zeros_hbm, acc_sh.at[pl.ds(s * ROWS_PER_TILE, ROWS_PER_TILE)])
    pltpu.sync_copy(src_hbm.at[wid], src_v)
    pltpu.sync_copy(dst_hbm.at[wid], dst_v)
    plsc.subcore_barrier()

    pltpu.async_copy(x_hbm.at[src_v.at[pl.ds(0, CHUNK)]], rows0_v, sem0)
    pltpu.async_copy(x_hbm.at[src_v.at[pl.ds(CHUNK, CHUNK)]], rows1_v, sem1)

    def body(i, carry):
        j = 2 * i
        pltpu.make_async_copy(x_hbm.at[pl.ds(0, CHUNK)], rows0_v, sem0).wait()
        pltpu.sync_copy(rows0_v, acc_sh.at[dst_v.at[j]], add=True)
        pltpu.async_copy(x_hbm.at[src_v.at[pl.ds((j + 2) * CHUNK, CHUNK)]],
                         rows0_v, sem0)
        pltpu.make_async_copy(x_hbm.at[pl.ds(0, CHUNK)], rows1_v, sem1).wait()
        pltpu.sync_copy(rows1_v, acc_sh.at[dst_v.at[j + 1]], add=True)
        pltpu.async_copy(x_hbm.at[src_v.at[pl.ds((j + 3) * CHUNK, CHUNK)]],
                         rows1_v, sem1)
        return carry

    lax.fori_loop(0, NCH // 2 - 1, body, 0, unroll=False)
    pltpu.make_async_copy(x_hbm.at[pl.ds(0, CHUNK)], rows0_v, sem0).wait()
    pltpu.sync_copy(rows0_v, acc_sh.at[dst_v.at[NCH - 3]], add=True)
    pltpu.async_copy(x_hbm.at[src_v.at[pl.ds((NCH - 1) * CHUNK, CHUNK)]],
                     rows0_v, sem0)
    pltpu.make_async_copy(x_hbm.at[pl.ds(0, CHUNK)], rows1_v, sem1).wait()
    pltpu.sync_copy(rows1_v, acc_sh.at[dst_v.at[NCH - 2]], add=True)
    pltpu.make_async_copy(x_hbm.at[pl.ds(0, CHUNK)], rows0_v, sem0).wait()
    pltpu.sync_copy(rows0_v, acc_sh.at[dst_v.at[NCH - 1]], add=True)
    plsc.subcore_barrier()

    base = c * PAD_ROWS + s * ROWS_PER_TILE
    pltpu.sync_copy(acc_sh.at[pl.ds(s * ROWS_PER_TILE, ROWS_PER_TILE)],
                    out_hbm.at[pl.ds(base, ROWS_PER_TILE)])


def _mlp_body(x_ref, p_ref, w_ref, beta_ref, o_ref):
    h = x_ref[...] + p_ref[0] + p_ref[1]
    y = jnp.dot(h, w_ref[...], preferred_element_type=jnp.float32)
    o_ref[...] = jnp.maximum(y + beta_ref[0:1, :], 0.0)


_BLK = 2000


def kernel(x, edge_index, W, b, bn_weight, bn_bias):
    ei = edge_index.astype(jnp.int32)
    src3 = ei[0].reshape(NW, E_PER_W)
    dst3 = ei[1].reshape(NW, NCH, CHUNK)
    zeros = jnp.zeros((ROWS_PER_TILE, D_FEAT), jnp.float32)

    partials = _agg_kernel(x, src3, dst3, zeros)
    partials = partials.reshape(NC, PAD_ROWS, D_FEAT)

    alpha = bn_weight * (1.0 / jnp.sqrt(1.0 + BN_EPS))
    Wp = (W * alpha[:, None]).T
    beta = jnp.broadcast_to((b * alpha + bn_bias)[None, :], (8, HIDDEN))

    out = pl.pallas_call(
        _mlp_body,
        grid=(N_NODES // _BLK,),
        in_specs=[
            pl.BlockSpec((_BLK, D_FEAT), lambda i: (i, 0)),
            pl.BlockSpec((NC, _BLK, D_FEAT), lambda i: (0, i, 0)),
            pl.BlockSpec((D_FEAT, HIDDEN), lambda i: (0, 0)),
            pl.BlockSpec((8, HIDDEN), lambda i: (0, 0)),
        ],
        out_specs=pl.BlockSpec((_BLK, HIDDEN), lambda i: (i, 0)),
        out_shape=jax.ShapeDtypeStruct((N_NODES, HIDDEN), jnp.float32),
    )(x, partials, Wp, beta)
    return out

# --- scband reference (transcript-rebuilt; emitter-appended) ---
"""Pipeline reference for scband-gin-43593918054564 (READ-ONLY COPY).

The authoritative reference and input builder live on the scoring server;
editing this copy changes nothing except your own understanding.
"""

import jax, jax.numpy as jnp
import numpy as np

N_NODES = 10000
N_EDGES = 320000
D_FEAT = 128
HIDDEN = 128
BN_EPS = 1e-5
GIN_EPS = 0.0


def setup_inputs(seed: int = 0) -> dict:
    key = jax.random.key(seed)
    k_x, k_e, k_w, k_b = jax.random.split(key, 4)
    x = jax.random.normal(k_x, (N_NODES, D_FEAT), dtype=jnp.float32)
    edge_index = jax.random.randint(k_e, (2, N_EDGES), 0, N_NODES, dtype=jnp.int64)
    # Linear(num_features -> hidden) params (PyTorch default init style)
    bound = 1.0 / np.sqrt(D_FEAT)
    W = jax.random.uniform(k_w, (HIDDEN, D_FEAT), dtype=jnp.float32, minval=-bound, maxval=bound)
    b = jax.random.uniform(k_b, (HIDDEN,), dtype=jnp.float32, minval=-bound, maxval=bound)
    # BatchNorm1d affine params (eval mode: running_mean=0, running_var=1)
    bn_weight = jnp.ones((HIDDEN,), dtype=jnp.float32)
    bn_bias = jnp.zeros((HIDDEN,), dtype=jnp.float32)
    return {"x": x, "edge_index": edge_index, "W": W, "b": b, "bn_weight": bn_weight, "bn_bias": bn_bias}


def reference(x, edge_index, W, b, bn_weight, bn_bias):
    # GINConv: h = MLP((1 + eps) * x + sum_{j in N(i)} x_j)
    src = edge_index[0]
    dst = edge_index[1]
    msgs = jnp.take(x, src, axis=0)  # gather source-node features per edge
    agg = jax.ops.segment_sum(msgs, dst, num_segments=N_NODES)  # scatter-add to dst
    h = (1.0 + GIN_EPS) * x + agg
    # MLP: Linear then BatchNorm1d (eval mode: normalize with running stats 0/1)
    h = h @ W.T + b
    h = (h - 0.0) / jnp.sqrt(1.0 + BN_EPS) * bn_weight + bn_bias
    # ReLU, then Dropout(p=0.0) is identity in eval
    h = jax.nn.relu(h)
    return h

if __name__ == "__main__":
    import jax
    _d = setup_inputs()
    print(jax.jit(kernel)(*tuple(_d.values())))

</pallas_src>

<mosaic_0001>
#map = affine_map<(d0, d1) -> (0, 0)>
#map1 = affine_map<(d0, d1) -> (0, 0, 0)>
module attributes {stable_mosaic.version = 14 : i64} {
  func.func @_agg_kernel(%arg0: i32, %arg1: i32, %arg2: memref<10000x128xf32, #tpu.memory_space<hbm>>, %arg3: memref<32x10000xi32, #tpu.memory_space<hbm>>, %arg4: memref<32x125x80xi32, #tpu.memory_space<hbm>>, %arg5: memref<640x128xf32, #tpu.memory_space<hbm>>, %arg6: memref<20480x128xf32, #tpu.memory_space<hbm>>, %arg7: memref<10000xi32, #tpu.memory_space<vmem>>, %arg8: memref<125x80xi32, #tpu.memory_space<vmem>>, %arg9: memref<80x128xf32, #tpu.memory_space<vmem>>, %arg10: memref<80x128xf32, #tpu.memory_space<vmem>>, %arg11: memref<10240x128xf32, #tpu.memory_space<vmem_shared>>, %arg12: memref<!tpu.dma_semaphore, #tpu.memory_space<semaphore_mem>>, %arg13: memref<!tpu.dma_semaphore, #tpu.memory_space<semaphore_mem>>) attributes {dimension_semantics = [#tpu.dimension_semantics<core_parallel>, #tpu.dimension_semantics<subcore_parallel>], iteration_bounds = array<i64: 2, 16>, scalar_prefetch = 0 : i64, scratch_operands = 7 : i64, tpu.core_type = #tpu.core_type<sc_vector_subcore>, window_params = [{transform_indices = #map}, {transform_indices = #map}, {transform_indices = #map1}, {transform_indices = #map}, {transform_indices = #map}]} {
    %mul3A = arith.constant 2 : i32
    %mul3A_0 = arith.muli %arg1, %mul3A : i32
    %add3A = arith.addi %mul3A_0, %arg0 : i32
    %mul3A_1 = arith.constant 640 : i32
    %mul3A_2 = arith.muli %arg1, %mul3A_1 : i32
    "tpu.region"() ({
      %run_scoped3A_49 = tpu.sem_alloc : memref<!tpu.dma_semaphore, #tpu.memory_space<semaphore_mem>>
      %dma_start3A_50 = arith.constant 0 : i32
      %dma_start3A_51 = tpu.memref_slice %arg11[%mul3A_2, %dma_start3A_50] : memref<10240x128xf32, #tpu.memory_space<vmem_shared>> -> memref<640x128xf32, #tpu.memory_space<vmem_shared>>
      tpu.enqueue_dma source(%arg5 : memref<640x128xf32, #tpu.memory_space<hbm>>) target(%dma_start3A_51 : memref<640x128xf32, #tpu.memory_space<vmem_shared>>) target_semaphore(%run_scoped3A_49 : memref<!tpu.dma_semaphore, #tpu.memory_space<semaphore_mem>>)
      %dma_wait3A_52 = arith.constant 0 : i32
      %dma_wait3A_53 = tpu.memref_slice %arg11[%mul3A_2, %dma_wait3A_52] : memref<10240x128xf32, #tpu.memory_space<vmem_shared>> -> memref<640x128xf32, #tpu.memory_space<vmem_shared>>
      tpu.wait_dma2 semaphore(%run_scoped3A_49 : memref<!tpu.dma_semaphore, #tpu.memory_space<semaphore_mem>>) src(%arg5 : memref<640x128xf32, #tpu.memory_space<hbm>>) dst(%dma_wait3A_53 : memref<640x128xf32, #tpu.memory_space<vmem_shared>>)
      tpu.yield
    }) : () -> ()
    "tpu.region"() ({
      %run_scoped3A_49 = tpu.sem_alloc : memref<!tpu.dma_semaphore, #tpu.memory_space<semaphore_mem>>
      %dma_start3A_50 = arith.constant 0 : i32
      %dma_start3A_51 = tpu.memref_slice %arg3[%add3A, %dma_start3A_50] : memref<32x10000xi32, #tpu.memory_space<hbm>> -> memref<1x10000xi32, #tpu.memory_space<hbm>>
      %dma_start3A_52 = tpu.memref_squeeze %dma_start3A_51 : memref<1x10000xi32, #tpu.memory_space<hbm>> -> memref<10000xi32, #tpu.memory_space<hbm>>
      %dma_start3A_53 = arith.constant 0 : i32
      %dma_start3A_54 = tpu.memref_slice %arg3[%add3A, %dma_start3A_53] : memref<32x10000xi32, #tpu.memory_space<hbm>> -> memref<1x10000xi32, #tpu.memory_space<hbm>>
      %dma_start3A_55 = tpu.memref_squeeze %dma_start3A_54 : memref<1x10000xi32, #tpu.memory_space<hbm>> -> memref<10000xi32, #tpu.memory_space<hbm>>
      tpu.enqueue_dma source(%dma_start3A_55 : memref<10000xi32, #tpu.memory_space<hbm>>) target(%arg7 : memref<10000xi32, #tpu.memory_space<vmem>>) target_semaphore(%run_scoped3A_49 : memref<!tpu.dma_semaphore, #tpu.memory_space<semaphore_mem>>)
      %dma_wait3A_56 = arith.constant 0 : i32
      %dma_wait3A_57 = tpu.memref_slice %arg3[%add3A, %dma_wait3A_56] : memref<32x10000xi32, #tpu.memory_space<hbm>> -> memref<1x10000xi32, #tpu.memory_space<hbm>>
      %dma_wait3A_58 = tpu.memref_squeeze %dma_wait3A_57 : memref<1x10000xi32, #tpu.memory_space<hbm>> -> memref<10000xi32, #tpu.memory_space<hbm>>
      %dma_wait3A_59 = arith.constant 0 : i32
      %dma_wait3A_60 = tpu.memref_slice %arg3[%add3A, %dma_wait3A_59] : memref<32x10000xi32, #tpu.memory_space<hbm>> -> memref<1x10000xi32, #tpu.memory_space<hbm>>
      %dma_wait3A_61 = tpu.memref_squeeze %dma_wait3A_60 : memref<1x10000xi32, #tpu.memory_space<hbm>> -> memref<10000xi32, #tpu.memory_space<hbm>>
      tpu.wait_dma2 semaphore(%run_scoped3A_49 : memref<!tpu.dma_semaphore, #tpu.memory_space<semaphore_mem>>) src(%dma_wait3A_61 : memref<10000xi32, #tpu.memory_space<hbm>>) dst(%arg7 : memref<10000xi32, #tpu.memory_space<vmem>>)
      tpu.yield
    }) : () -> ()
    "tpu.region"() ({
      %run_scoped3A_49 = tpu.sem_alloc : memref<!tpu.dma_semaphore, #tpu.memory_space<semaphore_mem>>
      %dma_start3A_50 = arith.constant 0 : i32
      %dma_start3A_51 = arith.constant 0 : i32
      %dma_start3A_52 = tpu.memref_slice %arg4[%add3A, %dma_start3A_50, %dma_start3A_51] : memref<32x125x80xi32, #tpu.memory_space<hbm>> -> memref<1x125x80xi32, #tpu.memory_space<hbm>>
      %dma_start3A_53 = tpu.memref_squeeze %dma_start3A_52 : memref<1x125x80xi32, #tpu.memory_space<hbm>> -> memref<125x80xi32, #tpu.memory_space<hbm>>
      %dma_start3A_54 = arith.constant 0 : i32
      %dma_start3A_55 = arith.constant 0 : i32
      %dma_start3A_56 = tpu.memref_slice %arg4[%add3A, %dma_start3A_54, %dma_start3A_55] : memref<32x125x80xi32, #tpu.memory_space<hbm>> -> memref<1x125x80xi32, #tpu.memory_space<hbm>>
      %dma_start3A_57 = tpu.memref_squeeze %dma_start3A_56 : memref<1x125x80xi32, #tpu.memory_space<hbm>> -> memref<125x80xi32, #tpu.memory_space<hbm>>
      tpu.enqueue_dma source(%dma_start3A_57 : memref<125x80xi32, #tpu.memory_space<hbm>>) target(%arg8 : memref<125x80xi32, #tpu.memory_space<vmem>>) target_semaphore(%run_scoped3A_49 : memref<!tpu.dma_semaphore, #tpu.memory_space<semaphore_mem>>)
      %dma_wait3A_58 = arith.constant 0 : i32
      %dma_wait3A_59 = arith.constant 0 : i32
      %dma_wait3A_60 = tpu.memref_slice %arg4[%add3A, %dma_wait3A_58, %dma_wait3A_59] : memref<32x125x80xi32, #tpu.memory_space<hbm>> -> memref<1x125x80xi32, #tpu.memory_space<hbm>>
      %dma_wait3A_61 = tpu.memref_squeeze %dma_wait3A_60 : memref<1x125x80xi32, #tpu.memory_space<hbm>> -> memref<125x80xi32, #tpu.memory_space<hbm>>
      %dma_wait3A_62 = arith.constant 0 : i32
      %dma_wait3A_63 = arith.constant 0 : i32
      %dma_wait3A_64 = tpu.memref_slice %arg4[%add3A, %dma_wait3A_62, %dma_wait3A_63] : memref<32x125x80xi32, #tpu.memory_space<hbm>> -> memref<1x125x80xi32, #tpu.memory_space<hbm>>
      %dma_wait3A_65 = tpu.memref_squeeze %dma_wait3A_64 : memref<1x125x80xi32, #tpu.memory_space<hbm>> -> memref<125x80xi32, #tpu.memory_space<hbm>>
      tpu.wait_dma2 semaphore(%run_scoped3A_49 : memref<!tpu.dma_semaphore, #tpu.memory_space<semaphore_mem>>) src(%dma_wait3A_65 : memref<125x80xi32, #tpu.memory_space<hbm>>) dst(%arg8 : memref<125x80xi32, #tpu.memory_space<vmem>>)
      tpu.yield
    }) : () -> ()
    %barrier3A = arith.constant 0 : index
    tpu.barrier barrier_id(%barrier3A)
    %dma_start3A = arith.constant 0 : i32
    %dma_start3A_3 = tpu.memref_slice %arg7[%dma_start3A] : memref<10000xi32, #tpu.memory_space<vmem>> -> memref<80xi32, #tpu.memory_space<vmem>>
    %dma_start3A_4 = arith.constant 0 : i32
    %dma_start3A_5 = arith.constant 0 : i32
    %dma_start3A_6 = tpu.memref_slice %arg2[%dma_start3A_4, %dma_start3A_5] : memref<10000x128xf32, #tpu.memory_space<hbm>> -> memref<10000x128xf32, #tpu.memory_space<hbm>>
    tpu.enqueue_indirect_dma source(%dma_start3A_6 : memref<10000x128xf32, #tpu.memory_space<hbm>>) target(%arg9 : memref<80x128xf32, #tpu.memory_space<vmem>>) offsets(%dma_start3A_3 : memref<80xi32, #tpu.memory_space<vmem>>) semaphore(%arg12 : memref<!tpu.dma_semaphore, #tpu.memory_space<semaphore_mem>>)
    %dma_start3A_7 = arith.constant 80 : i32
    %dma_start3A_8 = tpu.memref_slice %arg7[%dma_start3A_7] : memref<10000xi32, #tpu.memory_space<vmem>> -> memref<80xi32, #tpu.memory_space<vmem>>
    %dma_start3A_9 = arith.constant 0 : i32
    %dma_start3A_10 = arith.constant 0 : i32
    %dma_start3A_11 = tpu.memref_slice %arg2[%dma_start3A_9, %dma_start3A_10] : memref<10000x128xf32, #tpu.memory_space<hbm>> -> memref<10000x128xf32, #tpu.memory_space<hbm>>
    tpu.enqueue_indirect_dma source(%dma_start3A_11 : memref<10000x128xf32, #tpu.memory_space<hbm>>) target(%arg10 : memref<80x128xf32, #tpu.memory_space<vmem>>) offsets(%dma_start3A_8 : memref<80xi32, #tpu.memory_space<vmem>>) semaphore(%arg13 : memref<!tpu.dma_semaphore, #tpu.memory_space<semaphore_mem>>)
    %scan3A = arith.constant 0 : i32
    %scan3A_12 = arith.constant 0 : i32
    %scan3A_13 = arith.constant 61 : i32
    %scan3A_14 = arith.addi %scan3A_12, %scan3A_13 : i32
    %scan3A_15 = arith.constant 1 : i32
    scf.for %scan3A_49 = %scan3A_12 to %scan3A_14 step %scan3A_15  : i32 {
      %mul3A_50 = arith.constant 2 : i32
      %mul3A_51 = arith.muli %mul3A_50, %scan3A_49 : i32
      %dma_wait3A_52 = arith.constant 0 : i32
      %dma_wait3A_53 = arith.constant 0 : i32
      %dma_wait3A_54 = tpu.memref_slice %arg2[%dma_wait3A_52, %dma_wait3A_53] : memref<10000x128xf32, #tpu.memory_space<hbm>> -> memref<80x128xf32, #tpu.memory_space<hbm>>
      %dma_wait3A_55 = arith.constant 0 : i32
      %dma_wait3A_56 = arith.constant 0 : i32
      %dma_wait3A_57 = tpu.memref_slice %arg2[%dma_wait3A_55, %dma_wait3A_56] : memref<10000x128xf32, #tpu.memory_space<hbm>> -> memref<80x128xf32, #tpu.memory_space<hbm>>
      tpu.wait_dma2 semaphore(%arg12 : memref<!tpu.dma_semaphore, #tpu.memory_space<semaphore_mem>>) src(%dma_wait3A_57 : memref<80x128xf32, #tpu.memory_space<hbm>>) dst(%arg9 : memref<80x128xf32, #tpu.memory_space<vmem>>)
      "tpu.region"() ({
        %run_scoped3A_82 = tpu.sem_alloc : memref<!tpu.dma_semaphore, #tpu.memory_space<semaphore_mem>>
        %dma_start3A_83 = arith.constant 0 : i32
        %dma_start3A_84 = tpu.memref_slice %arg8[%mul3A_51, %dma_start3A_83] : memref<125x80xi32, #tpu.memory_space<vmem>> -> memref<1x80xi32, #tpu.memory_space<vmem>>
        %dma_start3A_85 = tpu.memref_squeeze %dma_start3A_84 : memref<1x80xi32, #tpu.memory_space<vmem>> -> memref<80xi32, #tpu.memory_space<vmem>>
        %dma_start3A_86 = arith.constant 0 : i32
        %dma_start3A_87 = arith.constant 0 : i32
        %dma_start3A_88 = tpu.memref_slice %arg11[%dma_start3A_86, %dma_start3A_87] : memref<10240x128xf32, #tpu.memory_space<vmem_shared>> -> memref<10240x128xf32, #tpu.memory_space<vmem_shared>>
        tpu.enqueue_indirect_dma source(%arg9 : memref<80x128xf32, #tpu.memory_space<vmem>>) target(%dma_start3A_88 : memref<10240x128xf32, #tpu.memory_space<vmem_shared>>) offsets(%dma_start3A_85 : memref<80xi32, #tpu.memory_space<vmem>>) semaphore(%run_scoped3A_82 : memref<!tpu.dma_semaphore, #tpu.memory_space<semaphore_mem>>) {add = true}
        %dma_wait3A_89 = arith.constant 0 : i32
        %dma_wait3A_90 = tpu.memref_slice %arg8[%mul3A_51, %dma_wait3A_89] : memref<125x80xi32, #tpu.memory_space<vmem>> -> memref<1x80xi32, #tpu.memory_space<vmem>>
        %dma_wait3A_91 = tpu.memref_squeeze %dma_wait3A_90 : memref<1x80xi32, #tpu.memory_space<vmem>> -> memref<80xi32, #tpu.memory_space<vmem>>
        %dma_wait3A_92 = arith.constant 0 : i32
        %dma_wait3A_93 = arith.constant 0 : i32
        %dma_wait3A_94 = tpu.memref_slice %arg11[%dma_wait3A_92, %dma_wait3A_93] : memref<10240x128xf32, #tpu.memory_space<vmem_shared>> -> memref<10240x128xf32, #tpu.memory_space<vmem_shared>>
        tpu.wait_indirect_dma semaphore(%run_scoped3A_82 : memref<!tpu.dma_semaphore, #tpu.memory_space<semaphore_mem>>) src(%arg9 : memref<80x128xf32, #tpu.memory_space<vmem>>) dst(%dma_wait3A_94 : memref<10240x128xf32, #tpu.memory_space<vmem_shared>>)
        tpu.yield
      }) : () -> ()
      %add3A_58 = arith.constant 2 : i32
      %add3A_59 = arith.addi %mul3A_51, %add3A_58 : i32
      %mul3A_60 = arith.constant 80 : i32
      %mul3A_61 = arith.muli %add3A_59, %mul3A_60 : i32
      %dma_start3A_62 = tpu.memref_slice %arg7[%mul3A_61] : memref<10000xi32, #tpu.memory_space<vmem>> -> memref<80xi32, #tpu.memory_space<vmem>>
      %dma_start3A_63 = arith.constant 0 : i32
      %dma_start3A_64 = arith.constant 0 : i32
      %dma_start3A_65 = tpu.memref_slice %arg2[%dma_start3A_63, %dma_start3A_64] : memref<10000x128xf32, #tpu.memory_space<hbm>> -> memref<10000x128xf32, #tpu.memory_space<hbm>>
      tpu.enqueue_indirect_dma source(%dma_start3A_65 : memref<10000x128xf32, #tpu.memory_space<hbm>>) target(%arg9 : memref<80x128xf32, #tpu.memory_space<vmem>>) offsets(%dma_start3A_62 : memref<80xi32, #tpu.memory_space<vmem>>) semaphore(%arg12 : memref<!tpu.dma_semaphore, #tpu.memory_space<semaphore_mem>>)
      %dma_wait3A_66 = arith.constant 0 : i32
      %dma_wait3A_67 = arith.constant 0 : i32
      %dma_wait3A_68 = tpu.memref_slice %arg2[%dma_wait3A_66, %dma_wait3A_67] : memref<10000x128xf32, #tpu.memory_space<hbm>> -> memref<80x128xf32, #tpu.memory_space<hbm>>
      %dma_wait3A_69 = arith.constant 0 : i32
      %dma_wait3A_70 = arith.constant 0 : i32
      %dma_wait3A_71 = tpu.memref_slice %arg2[%dma_wait3A_69, %dma_wait3A_70] : memref<10000x128xf32, #tpu.memory_space<hbm>> -> memref<80x128xf32, #tpu.memory_space<hbm>>
      tpu.wait_dma2 semaphore(%arg13 : memref<!tpu.dma_semaphore, #tpu.memory_space<semaphore_mem>>) src(%dma_wait3A_71 : memref<80x128xf32, #tpu.memory_space<hbm>>) dst(%arg10 : memref<80x128xf32, #tpu.memory_space<vmem>>)
      %add3A_72 = arith.constant 1 : i32
      %add3A_73 = arith.addi %mul3A_51, %add3A_72 : i32
      "tpu.region"() ({
        %run_scoped3A_82 = tpu.sem_alloc : memref<!tpu.dma_semaphore, #tpu.memory_space<semaphore_mem>>
        %dma_start3A_83 = arith.constant 0 : i32
        %dma_start3A_84 = tpu.memref_slice %arg8[%add3A_73, %dma_start3A_83] : memref<125x80xi32, #tpu.memory_space<vmem>> -> memref<1x80xi32, #tpu.memory_space<vmem>>
        %dma_start3A_85 = tpu.memref_squeeze %dma_start3A_84 : memref<1x80xi32, #tpu.memory_space<vmem>> -> memref<80xi32, #tpu.memory_space<vmem>>
        %dma_start3A_86 = arith.constant 0 : i32
        %dma_start3A_87 = arith.constant 0 : i32
        %dma_start3A_88 = tpu.memref_slice %arg11[%dma_start3A_86, %dma_start3A_87] : memref<10240x128xf32, #tpu.memory_space<vmem_shared>> -> memref<10240x128xf32, #tpu.memory_space<vmem_shared>>
        tpu.enqueue_indirect_dma source(%arg10 : memref<80x128xf32, #tpu.memory_space<vmem>>) target(%dma_start3A_88 : memref<10240x128xf32, #tpu.memory_space<vmem_shared>>) offsets(%dma_start3A_85 : memref<80xi32, #tpu.memory_space<vmem>>) semaphore(%run_scoped3A_82 : memref<!tpu.dma_semaphore, #tpu.memory_space<semaphore_mem>>) {add = true}
        %dma_wait3A_89 = arith.constant 0 : i32
        %dma_wait3A_90 = tpu.memref_slice %arg8[%add3A_73, %dma_wait3A_89] : memref<125x80xi32, #tpu.memory_space<vmem>> -> memref<1x80xi32, #tpu.memory_space<vmem>>
        %dma_wait3A_91 = tpu.memref_squeeze %dma_wait3A_90 : memref<1x80xi32, #tpu.memory_space<vmem>> -> memref<80xi32, #tpu.memory_space<vmem>>
        %dma_wait3A_92 = arith.constant 0 : i32
        %dma_wait3A_93 = arith.constant 0 : i32
        %dma_wait3A_94 = tpu.memref_slice %arg11[%dma_wait3A_92, %dma_wait3A_93] : memref<10240x128xf32, #tpu.memory_space<vmem_shared>> -> memref<10240x128xf32, #tpu.memory_space<vmem_shared>>
        tpu.wait_indirect_dma semaphore(%run_scoped3A_82 : memref<!tpu.dma_semaphore, #tpu.memory_space<semaphore_mem>>) src(%arg10 : memref<80x128xf32, #tpu.memory_space<vmem>>) dst(%dma_wait3A_94 : memref<10240x128xf32, #tpu.memory_space<vmem_shared>>)
        tpu.yield
      }) : () -> ()
      %add3A_74 = arith.constant 3 : i32
      %add3A_75 = arith.addi %mul3A_51, %add3A_74 : i32
      %mul3A_76 = arith.constant 80 : i32
      %mul3A_77 = arith.muli %add3A_75, %mul3A_76 : i32
      %dma_start3A_78 = tpu.memref_slice %arg7[%mul3A_77] : memref<10000xi32, #tpu.memory_space<vmem>> -> memref<80xi32, #tpu.memory_space<vmem>>
      %dma_start3A_79 = arith.constant 0 : i32
      %dma_start3A_80 = arith.constant 0 : i32
      %dma_start3A_81 = tpu.memref_slice %arg2[%dma_start3A_79, %dma_start3A_80] : memref<10000x128xf32, #tpu.memory_space<hbm>> -> memref<10000x128xf32, #tpu.memory_space<hbm>>
      tpu.enqueue_indirect_dma source(%dma_start3A_81 : memref<10000x128xf32, #tpu.memory_space<hbm>>) target(%arg10 : memref<80x128xf32, #tpu.memory_space<vmem>>) offsets(%dma_start3A_78 : memref<80xi32, #tpu.memory_space<vmem>>) semaphore(%arg13 : memref<!tpu.dma_semaphore, #tpu.memory_space<semaphore_mem>>)
    }
    %scan3A_16 = arith.constant 61 : i32
    %dma_wait3A = arith.constant 0 : i32
    %dma_wait3A_17 = arith.constant 0 : i32
    %dma_wait3A_18 = tpu.memref_slice %arg2[%dma_wait3A, %dma_wait3A_17] : memref<10000x128xf32, #tpu.memory_space<hbm>> -> memref<80x128xf32, #tpu.memory_space<hbm>>
    %dma_wait3A_19 = arith.constant 0 : i32
    %dma_wait3A_20 = arith.constant 0 : i32
    %dma_wait3A_21 = tpu.memref_slice %arg2[%dma_wait3A_19, %dma_wait3A_20] : memref<10000x128xf32, #tpu.memory_space<hbm>> -> memref<80x128xf32, #tpu.memory_space<hbm>>
    tpu.wait_dma2 semaphore(%arg12 : memref<!tpu.dma_semaphore, #tpu.memory_space<semaphore_mem>>) src(%dma_wait3A_21 : memref<80x128xf32, #tpu.memory_space<hbm>>) dst(%arg9 : memref<80x128xf32, #tpu.memory_space<vmem>>)
    %run_scoped3A = arith.constant 122 : i32
    "tpu.region"() ({
      %run_scoped3A_49 = tpu.sem_alloc : memref<!tpu.dma_semaphore, #tpu.memory_space<semaphore_mem>>
      %dma_start3A_50 = arith.constant 0 : i32
      %dma_start3A_51 = tpu.memref_slice %arg8[%run_scoped3A, %dma_start3A_50] : memref<125x80xi32, #tpu.memory_space<vmem>> -> memref<1x80xi32, #tpu.memory_space<vmem>>
      %dma_start3A_52 = tpu.memref_squeeze %dma_start3A_51 : memref<1x80xi32, #tpu.memory_space<vmem>> -> memref<80xi32, #tpu.memory_space<vmem>>
      %dma_start3A_53 = arith.constant 0 : i32
      %dma_start3A_54 = arith.constant 0 : i32
      %dma_start3A_55 = tpu.memref_slice %arg11[%dma_start3A_53, %dma_start3A_54] : memref<10240x128xf32, #tpu.memory_space<vmem_shared>> -> memref<10240x128xf32, #tpu.memory_space<vmem_shared>>
      tpu.enqueue_indirect_dma source(%arg9 : memref<80x128xf32, #tpu.memory_space<vmem>>) target(%dma_start3A_55 : memref<10240x128xf32, #tpu.memory_space<vmem_shared>>) offsets(%dma_start3A_52 : memref<80xi32, #tpu.memory_space<vmem>>) semaphore(%run_scoped3A_49 : memref<!tpu.dma_semaphore, #tpu.memory_space<semaphore_mem>>) {add = true}
      %dma_wait3A_56 = arith.constant 0 : i32
      %dma_wait3A_57 = tpu.memref_slice %arg8[%run_scoped3A, %dma_wait3A_56] : memref<125x80xi32, #tpu.memory_space<vmem>> -> memref<1x80xi32, #tpu.memory_space<vmem>>
      %dma_wait3A_58 = tpu.memref_squeeze %dma_wait3A_57 : memref<1x80xi32, #tpu.memory_space<vmem>> -> memref<80xi32, #tpu.memory_space<vmem>>
      %dma_wait3A_59 = arith.constant 0 : i32
      %dma_wait3A_60 = arith.constant 0 : i32
      %dma_wait3A_61 = tpu.memref_slice %arg11[%dma_wait3A_59, %dma_wait3A_60] : memref<10240x128xf32, #tpu.memory_space<vmem_shared>> -> memref<10240x128xf32, #tpu.memory_space<vmem_shared>>
      tpu.wait_indirect_dma semaphore(%run_scoped3A_49 : memref<!tpu.dma_semaphore, #tpu.memory_space<semaphore_mem>>) src(%arg9 : memref<80x128xf32, #tpu.memory_space<vmem>>) dst(%dma_wait3A_61 : memref<10240x128xf32, #tpu.memory_space<vmem_shared>>)
      tpu.yield
    }) : () -> ()
    %dma_start3A_22 = arith.constant 9920 : i32
    %dma_start3A_23 = tpu.memref_slice %arg7[%dma_start3A_22] : memref<10000xi32, #tpu.memory_space<vmem>> -> memref<80xi32, #tpu.memory_space<vmem>>
    %dma_start3A_24 = arith.constant 0 : i32
    %dma_start3A_25 = arith.constant 0 : i32
    %dma_start3A_26 = tpu.memref_slice %arg2[%dma_start3A_24, %dma_start3A_25] : memref<10000x128xf32, #tpu.memory_space<hbm>> -> memref<10000x128xf32, #tpu.memory_space<hbm>>
    tpu.enqueue_indirect_dma source(%dma_start3A_26 : memref<10000x128xf32, #tpu.memory_space<hbm>>) target(%arg9 : memref<80x128xf32, #tpu.memory_space<vmem>>) offsets(%dma_start3A_23 : memref<80xi32, #tpu.memory_space<vmem>>) semaphore(%arg12 : memref<!tpu.dma_semaphore, #tpu.memory_space<semaphore_mem>>)
    %dma_wait3A_27 = arith.constant 0 : i32
    %dma_wait3A_28 = arith.constant 0 : i32
    %dma_wait3A_29 = tpu.memref_slice %arg2[%dma_wait3A_27, %dma_wait3A_28] : memref<10000x128xf32, #tpu.memory_space<hbm>> -> memref<80x128xf32, #tpu.memory_space<hbm>>
    %dma_wait3A_30 = arith.constant 0 : i32
    %dma_wait3A_31 = arith.constant 0 : i32
    %dma_wait3A_32 = tpu.memref_slice %arg2[%dma_wait3A_30, %dma_wait3A_31] : memref<10000x128xf32, #tpu.memory_space<hbm>> -> memref<80x128xf32, #tpu.memory_space<hbm>>
    tpu.wait_dma2 semaphore(%arg13 : memref<!tpu.dma_semaphore, #tpu.memory_space<semaphore_mem>>) src(%dma_wait3A_32 : memref<80x128xf32, #tpu.memory_space<hbm>>) dst(%arg10 : memref<80x128xf32, #tpu.memory_space<vmem>>)
    %run_scoped3A_33 = arith.constant 123 : i32
    "tpu.region"() ({
      %run_scoped3A_49 = tpu.sem_alloc : memref<!tpu.dma_semaphore, #tpu.memory_space<semaphore_mem>>
      %dma_start3A_50 = arith.constant 0 : i32
      %dma_start3A_51 = tpu.memref_slice %arg8[%run_scoped3A_33, %dma_start3A_50] : memref<125x80xi32, #tpu.memory_space<vmem>> -> memref<1x80xi32, #tpu.memory_space<vmem>>
      %dma_start3A_52 = tpu.memref_squeeze %dma_start3A_51 : memref<1x80xi32, #tpu.memory_space<vmem>> -> memref<80xi32, #tpu.memory_space<vmem>>
      %dma_start3A_53 = arith.constant 0 : i32
      %dma_start3A_54 = arith.constant 0 : i32
      %dma_start3A_55 = tpu.memref_slice %arg11[%dma_start3A_53, %dma_start3A_54] : memref<10240x128xf32, #tpu.memory_space<vmem_shared>> -> memref<10240x128xf32, #tpu.memory_space<vmem_shared>>
      tpu.enqueue_indirect_dma source(%arg10 : memref<80x128xf32, #tpu.memory_space<vmem>>) target(%dma_start3A_55 : memref<10240x128xf32, #tpu.memory_space<vmem_shared>>) offsets(%dma_start3A_52 : memref<80xi32, #tpu.memory_space<vmem>>) semaphore(%run_scoped3A_49 : memref<!tpu.dma_semaphore, #tpu.memory_space<semaphore_mem>>) {add = true}
      %dma_wait3A_56 = arith.constant 0 : i32
      %dma_wait3A_57 = tpu.memref_slice %arg8[%run_scoped3A_33, %dma_wait3A_56] : memref<125x80xi32, #tpu.memory_space<vmem>> -> memref<1x80xi32, #tpu.memory_space<vmem>>
      %dma_wait3A_58 = tpu.memref_squeeze %dma_wait3A_57 : memref<1x80xi32, #tpu.memory_space<vmem>> -> memref<80xi32, #tpu.memory_space<vmem>>
      %dma_wait3A_59 = arith.constant 0 : i32
      %dma_wait3A_60 = arith.constant 0 : i32
      %dma_wait3A_61 = tpu.memref_slice %arg11[%dma_wait3A_59, %dma_wait3A_60] : memref<10240x128xf32, #tpu.memory_space<vmem_shared>> -> memref<10240x128xf32, #tpu.memory_space<vmem_shared>>
      tpu.wait_indirect_dma semaphore(%run_scoped3A_49 : memref<!tpu.dma_semaphore, #tpu.memory_space<semaphore_mem>>) src(%arg10 : memref<80x128xf32, #tpu.memory_space<vmem>>) dst(%dma_wait3A_61 : memref<10240x128xf32, #tpu.memory_space<vmem_shared>>)
      tpu.yield
    }) : () -> ()
    %dma_wait3A_34 = arith.constant 0 : i32
    %dma_wait3A_35 = arith.constant 0 : i32
    %dma_wait3A_36 = tpu.memref_slice %arg2[%dma_wait3A_34, %dma_wait3A_35] : memref<10000x128xf32, #tpu.memory_space<hbm>> -> memref<80x128xf32, #tpu.memory_space<hbm>>
    %dma_wait3A_37 = arith.constant 0 : i32
    %dma_wait3A_38 = arith.constant 0 : i32
    %dma_wait3A_39 = tpu.memref_slice %arg2[%dma_wait3A_37, %dma_wait3A_38] : memref<10000x128xf32, #tpu.memory_space<hbm>> -> memref<80x128xf32, #tpu.memory_space<hbm>>
    tpu.wait_dma2 semaphore(%arg12 : memref<!tpu.dma_semaphore, #tpu.memory_space<semaphore_mem>>) src(%dma_wait3A_39 : memref<80x128xf32, #tpu.memory_space<hbm>>) dst(%arg9 : memref<80x128xf32, #tpu.memory_space<vmem>>)
    %run_scoped3A_40 = arith.constant 124 : i32
    "tpu.region"() ({
      %run_scoped3A_49 = tpu.sem_alloc : memref<!tpu.dma_semaphore, #tpu.memory_space<semaphore_mem>>
      %dma_start3A_50 = arith.constant 0 : i32
      %dma_start3A_51 = tpu.memref_slice %arg8[%run_scoped3A_40, %dma_start3A_50] : memref<125x80xi32, #tpu.memory_space<vmem>> -> memref<1x80xi32, #tpu.memory_space<vmem>>
      %dma_start3A_52 = tpu.memref_squeeze %dma_start3A_51 : memref<1x80xi32, #tpu.memory_space<vmem>> -> memref<80xi32, #tpu.memory_space<vmem>>
      %dma_start3A_53 = arith.constant 0 : i32
      %dma_start3A_54 = arith.constant 0 : i32
      %dma_start3A_55 = tpu.memref_slice %arg11[%dma_start3A_53, %dma_start3A_54] : memref<10240x128xf32, #tpu.memory_space<vmem_shared>> -> memref<10240x128xf32, #tpu.memory_space<vmem_shared>>
      tpu.enqueue_indirect_dma source(%arg9 : memref<80x128xf32, #tpu.memory_space<vmem>>) target(%dma_start3A_55 : memref<10240x128xf32, #tpu.memory_space<vmem_shared>>) offsets(%dma_start3A_52 : memref<80xi32, #tpu.memory_space<vmem>>) semaphore(%run_scoped3A_49 : memref<!tpu.dma_semaphore, #tpu.memory_space<semaphore_mem>>) {add = true}
      %dma_wait3A_56 = arith.constant 0 : i32
      %dma_wait3A_57 = tpu.memref_slice %arg8[%run_scoped3A_40, %dma_wait3A_56] : memref<125x80xi32, #tpu.memory_space<vmem>> -> memref<1x80xi32, #tpu.memory_space<vmem>>
      %dma_wait3A_58 = tpu.memref_squeeze %dma_wait3A_57 : memref<1x80xi32, #tpu.memory_space<vmem>> -> memref<80xi32, #tpu.memory_space<vmem>>
      %dma_wait3A_59 = arith.constant 0 : i32
      %dma_wait3A_60 = arith.constant 0 : i32
      %dma_wait3A_61 = tpu.memref_slice %arg11[%dma_wait3A_59, %dma_wait3A_60] : memref<10240x128xf32, #tpu.memory_space<vmem_shared>> -> memref<10240x128xf32, #tpu.memory_space<vmem_shared>>
      tpu.wait_indirect_dma semaphore(%run_scoped3A_49 : memref<!tpu.dma_semaphore, #tpu.memory_space<semaphore_mem>>) src(%arg9 : memref<80x128xf32, #tpu.memory_space<vmem>>) dst(%dma_wait3A_61 : memref<10240x128xf32, #tpu.memory_space<vmem_shared>>)
      tpu.yield
    }) : () -> ()
    %barrier3A_41 = arith.constant 0 : index
    tpu.barrier barrier_id(%barrier3A_41)
    %mul3A_42 = arith.constant 10240 : i32
    %mul3A_43 = arith.muli %arg0, %mul3A_42 : i32
    %mul3A_44 = arith.constant 640 : i32
    %mul3A_45 = arith.muli %arg1, %mul3A_44 : i32
    %add3A_46 = arith.addi %mul3A_43, %mul3A_45 : i32
    %mul3A_47 = arith.constant 640 : i32
    %mul3A_48 = arith.muli %arg1, %mul3A_47 : i32
    "tpu.region"() ({
      %run_scoped3A_49 = tpu.sem_alloc : memref<!tpu.dma_semaphore, #tpu.memory_space<semaphore_mem>>
      %dma_start3A_50 = arith.constant 0 : i32
      %dma_start3A_51 = tpu.memref_slice %arg6[%add3A_46, %dma_start3A_50] : memref<20480x128xf32, #tpu.memory_space<hbm>> -> memref<640x128xf32, #tpu.memory_space<hbm>>
      %dma_start3A_52 = arith.constant 0 : i32
      %dma_start3A_53 = tpu.memref_slice %arg11[%mul3A_48, %dma_start3A_52] : memref<10240x128xf32, #tpu.memory_space<vmem_shared>> -> memref<640x128xf32, #tpu.memory_space<vmem_shared>>
      tpu.enqueue_dma source(%dma_start3A_53 : memref<640x128xf32, #tpu.memory_space<vmem_shared>>) target(%dma_start3A_51 : memref<640x128xf32, #tpu.memory_space<hbm>>) target_semaphore(%run_scoped3A_49 : memref<!tpu.dma_semaphore, #tpu.memory_space<semaphore_mem>>)
      %dma_wait3A_54 = arith.constant 0 : i32
      %dma_wait3A_55 = tpu.memref_slice %arg6[%add3A_46, %dma_wait3A_54] : memref<20480x128xf32, #tpu.memory_space<hbm>> -> memref<640x128xf32, #tpu.memory_space<hbm>>
      %dma_wait3A_56 = arith.constant 0 : i32
      %dma_wait3A_57 = tpu.memref_slice %arg11[%mul3A_48, %dma_wait3A_56] : memref<10240x128xf32, #tpu.memory_space<vmem_shared>> -> memref<640x128xf32, #tpu.memory_space<vmem_shared>>
      tpu.wait_dma2 semaphore(%run_scoped3A_49 : memref<!tpu.dma_semaphore, #tpu.memory_space<semaphore_mem>>) src(%dma_wait3A_57 : memref<640x128xf32, #tpu.memory_space<vmem_shared>>) dst(%dma_wait3A_55 : memref<640x128xf32, #tpu.memory_space<hbm>>)
      tpu.yield
    }) : () -> ()
    return
  }
}

module attributes {stable_mosaic.version = 14 : i64} {
  func.func @_mlp_body(%arg0: i32, %arg1: memref<2000x128xf32, #tpu.memory_space<vmem>>, %arg2: memref<2x2000x128xf32, #tpu.memory_space<vmem>>, %arg3: memref<128x128xf32, #tpu.memory_space<vmem>>, %arg4: memref<8x128xf32, #tpu.memory_space<vmem>>, %arg5: memref<2000x128xf32, #tpu.memory_space<vmem>>) attributes {dimension_semantics = [#tpu.dimension_semantics<arbitrary>], iteration_bounds = array<i64: 5>, scalar_prefetch = 0 : i64, scratch_operands = 0 : i64, tpu.core_type = #tpu.core_type<tc>, window_params = [{transform_indices = @transform_0, window_bounds = array<i64: 2000, 128>}, {transform_indices = @transform_1, window_bounds = array<i64: 2, 2000, 128>}, {pipeline_mode = #tpu.pipeline_mode<synchronous>, transform_indices = @transform_2, window_bounds = array<i64: 128, 128>}, {pipeline_mode = #tpu.pipeline_mode<synchronous>, transform_indices = @transform_3, window_bounds = array<i64: 8, 128>}, {transform_indices = @transform_4, window_bounds = array<i64: 2000, 128>}]} {
    %get3A = arith.constant 0 : index
    %get3A_0 = arith.constant 0 : index
    %get3A_1 = vector.load %arg1[%get3A, %get3A_0] : memref<2000x128xf32, #tpu.memory_space<vmem>>, vector<2000x128xf32>
    %get3A_2 = arith.constant 0 : index
    %get3A_3 = arith.constant 0 : index
    %get3A_4 = arith.constant 0 : index
    %get3A_5 = vector.load %arg2[%get3A_2, %get3A_3, %get3A_4] : memref<2x2000x128xf32, #tpu.memory_space<vmem>>, vector<1x2000x128xf32>
    %get3A_6 = vector.shape_cast %get3A_5 : vector<1x2000x128xf32> to vector<2000x128xf32>
    %add3A = arith.addf %get3A_1, %get3A_6 : vector<2000x128xf32>
    %get3A_7 = arith.constant 1 : index
    %get3A_8 = arith.constant 0 : index
    %get3A_9 = arith.constant 0 : index
    %get3A_10 = vector.load %arg2[%get3A_7, %get3A_8, %get3A_9] : memref<2x2000x128xf32, #tpu.memory_space<vmem>>, vector<1x2000x128xf32>
    %get3A_11 = vector.shape_cast %get3A_10 : vector<1x2000x128xf32> to vector<2000x128xf32>
    %add3A_12 = arith.addf %add3A, %get3A_11 : vector<2000x128xf32>
    %get3A_13 = arith.constant 0 : index
    %get3A_14 = arith.constant 0 : index
    %get3A_15 = vector.load %arg3[%get3A_13, %get3A_14] : memref<128x128xf32, #tpu.memory_space<vmem>>, vector<128x128xf32>
    %dot_general3A = arith.constant dense<0.000000e+00> : vector<2000x128xf32>
    %dot_general3A_16 = tpu.matmul %add3A_12, %get3A_15, %dot_general3A {dimension_numbers = #tpu.dot_dimension_numbers<[1], [0], [0], [1], [0, 0, 1, 1], [], []>, transpose_lhs_hint = false} : vector<2000x128xf32>, vector<128x128xf32>, vector<2000x128xf32> -> vector<2000x128xf32>
    %get3A_17 = arith.constant 0 : index
    %get3A_18 = arith.constant 0 : index
    %get3A_19 = vector.load %arg4[%get3A_17, %get3A_18] : memref<8x128xf32, #tpu.memory_space<vmem>>, vector<1x128xf32>
    %add3A_20 = vector.broadcast %get3A_19 : vector<1x128xf32> to vector<2000x128xf32>
    %add3A_21 = arith.addf %dot_general3A_16, %add3A_20 : vector<2000x128xf32>
    %max3A = arith.constant 0.000000e+00 : f32
    %max3A_22 = vector.broadcast %max3A : f32 to vector<2000x128xf32>
    %max3A_23 = arith.maximumf %add3A_21, %max3A_22 : vector<2000x128xf32>
    %swap3A = arith.constant 0 : index
    %swap3A_24 = arith.constant 0 : index
    %swap3A_25 = vector.load %arg5[%swap3A, %swap3A_24] : memref<2000x128xf32, #tpu.memory_space<vmem>>, vector<2000x128xf32>
    tpu.vector_store %arg5[%swap3A, %swap3A_24], %max3A_23 {strides = array<i32>} : memref<2000x128xf32, #tpu.memory_space<vmem>>, vector<2000x128xf32>,
    return
  }
  func.func @transform_0(%arg0: i32) -> (i32, i32) {
    %c0_i32 = arith.constant 0 : i32
    %c0_i32_0 = arith.constant 0 : i32
    return %arg0, %c0_i32 : i32, i32
  }
  func.func @transform_1(%arg0: i32) -> (i32, i32, i32) {
    %c0_i32 = arith.constant 0 : i32
    %c0_i32_0 = arith.constant 0 : i32
    %c0_i32_1 = arith.constant 0 : i32
    return %c0_i32, %arg0, %c0_i32_0 : i32, i32, i32
  }
  func.func @transform_2(%arg0: i32) -> (i32, i32) {
    %c0_i32 = arith.constant 0 : i32
    %c0_i32_0 = arith.constant 0 : i32
    %c0_i32_1 = arith.constant 0 : i32
    return %c0_i32, %c0_i32_0 : i32, i32
  }
  func.func @transform_3(%arg0: i32) -> (i32, i32) {
    %c0_i32 = arith.constant 0 : i32
    %c0_i32_0 = arith.constant 0 : i32
    %c0_i32_1 = arith.constant 0 : i32
    return %c0_i32, %c0_i32_0 : i32, i32
  }
  func.func @transform_4(%arg0: i32) -> (i32, i32) {
    %c0_i32 = arith.constant 0 : i32
    %c0_i32_0 = arith.constant 0 : i32
    return %arg0, %c0_i32 : i32, i32
  }
}

</mosaic_0001>

<sc_bundles>
// kernel: kernel.4.cloned.1.call-start
scs
__scs_entry_jumppad:
0x0: {  	(pc) =	sbr.rel $0x88, $3  }
0x1: {  	(tag) =	ssettag $0x0;
	lr =	simm.s32 $0x1  }
0x2: {  	[smem:$0x3F9B] =	sst lr;
	_ =	strace $0xD0000000  }
0x3: {  	_ = 	snop  }
0x4: {  	_ = 	snop  }
0x5: {  	_ = 	snop  }
0x6: {  	_ = 	snop  }
0x7: {  	_ = 	snop  }
__scs_overlays_trampoline_lowered:
0x8: {  	[smem:$0x3FAA] =	sst s0  }
0x9: {  	[smem:$0x3FAB] =	sst s1  }
0xa: {  	[smem:$0x3FAC] =	sst s2  }
0xb: {  	[smem:$0x3FAD] =	sst s3  }
0xc: {  	[smem:$0x3FAE] =	sst s4  }
0xd: {  	[smem:$0x3FAF] =	sst s5  }
0xe: {  	[smem:$0x3FB0] =	sst s6  }
0xf: {  	[smem:$0x3FB1] =	sst s7  }
0x10: {  	[smem:$0x3FB2] =	sst s8  }
0x11: {  	[smem:$0x3FB3] =	sst s9;
	s0 =	simm.s32 @!p0 $0x0  }
0x12: {  	s1 =	sld [smem:$0x3F99];
	s0 =	simm.s32 @p0 $0x1  }
0x13: {  	[smem:$0x3FB4] =	sst s0;
	s0 =	simm.s32 @!p1 $0x0  }
0x14: {  	s2 =	sld [smem:$0x3F98];
	s0 =	simm.s32 @p1 $0x1  }
0x15: {  	[smem:$0x3FB5] =	sst s0;
	s0 =	simm.s32 @!p2 $0x0  }
0x16: {  	s3 =	sld [smem:$0x3FDB];
	s0 =	simm.s32 @p2 $0x1  }
0x17: {  	s4 =	simm.s32 $0x1BF5;
	[smem:$0x3FB7] =	sst s0  }
0x18: {  	s0 =	sld [smem:$0x3F9A];
	_ =	swait.ge [sflag:s4], $0x0  }
0x19: {  	s7 =	sld [smem:$0x3F9B]  }
0x1a: {  	s8 =	sadd.s32 $0xFFFFE003, lr  }
0x1b: {  	s9 =	sadd.s32 $0xFFFFFEF7, lr;
	s5 =	simm.s32 $0xFFFFFFFF;
	p2 =	slt.u32 s8, $0xFFFFF086  }
0x1c: {  	p1 =	slt.u32 s9, $0xF7A;
	s5 =	simm.s32 @!p2 $0x0  }
0x1d: {  	s5 =	simm.s32 @p1 $0x1;
	p0 =	seq.s32 s7, s2  }
0x1e: {  	s7 =	smul.u32 @!p0 $0xF7A, s2;
	p2 =	seq.s32 @!p0 s5, $0x0  }
0x1f: {  	s9 =	smul.u32 $0xF7A, s1;
	s8 =	simm.s32 @!p0 $0x1BF5;
	p2 =	por !p2, p0  }
0x20: {  	[sflag:s8] =	ssyncset.s32 @!p0 $0xFFFFF086;
	s6 =	sadd.s32 @!p0 s3, s7;
	s7 =	simm.s32 @!p0 $0x108  }
0x21: {  	s3 =	sadd.s32 s3, s9;
	s6 =	sadd.s32 @!p0 $0x88, s6;
	s7 =	simm.s32 @p2 $0x1082  }
0x22: {  	[simem:s7], [sflag:s8] =	dma.local @!p0 [hbm:s6], $0xF7A  }
0x23: {  	s9 =	sor.u32 $0xD0000000, s2;
	s6 =	simm.s32 $0x108;
	_ =	swait.ge @!p0 [sflag:s8], $0x0  }
0x24: {  	s3 =	sadd.s32 $0x88, s3;
	s6 =	simm.s32 @!p1 $0x1082;
	[sflag:s4] =	ssyncset.s32 $0xFFFFF086  }
0x25: {  	[simem:s6], [sflag:s4] =	dma.local [hbm:s3], $0xF7A  }
0x26: {  	[smem:$0x3F9B] =	sst s1;
	(tag) =	ssettag s2;
	_ =	strace s9  }
0x27: {  	s1 =	sld [smem:$0x3FAB]  }
0x28: {  	s2 =	sld [smem:$0x3FAC]  }
0x29: {  	s4 =	sld [smem:$0x3FAE]  }
0x2a: {  	p0 =	seq.s32 s5, $0x0;
	s5 =	sld [smem:$0x3FAF]  }
0x2b: {  	s6 =	sld [smem:$0x3FB0]  }
0x2c: {  	s7 =	sld [smem:$0x3FB1]  }
0x2d: {  	s3 =	simm.s32 $0x108;
	s8 =	sld [smem:$0x3FB2]  }
0x2e: {  	s3 =	simm.s32 @!p0 $0x1082;
	s9 =	sld [smem:$0x3FB3]  }
0x2f: {  	lr =	sadd.s32 s0, s3;
	s0 =	sld [smem:$0x3FAA]  }
0x30: {  	s3 =	sld [smem:$0x3FAD]  }
0x31: {  	[smem:$0x3FB6] =	sst s10  }
0x32: {  	s10 =	sld [smem:$0x3FB4];
	_ =	sdelay $0x3  }
0x33: {  	p0 =	seq.s32 s10, $0x1;
	s10 =	sld [smem:$0x3FB6];
	_ =	sdelay $0x3  }
0x34: {  	[smem:$0x3FB6] =	sst s10  }
0x35: {  	s10 =	sld [smem:$0x3FB5];
	_ =	sdelay $0x3  }
0x36: {  	p1 =	seq.s32 s10, $0x1;
	s10 =	sld [smem:$0x3FB6];
	_ =	sdelay $0x3  }
0x37: {  	[smem:$0x3FB6] =	sst s10  }
0x38: {  	s10 =	sld [smem:$0x3FB7]  }
0x39: {  	_ = 	snop;
	(pc) =	sbr.ind lr, $3  }
0x3a: {  	_ = 	snop  }
0x3b: {  	_ = 	snop  }
0x3c: {  	p2 =	seq.s32 s10, $0x1;
	s10 =	sld [smem:$0x3FB6]  }
0x3d: {  	_ =	shalt  }
0x3e: {  	_ =	shalt  }
0x3f: {  	_ =	shalt  }
0x40: {  	_ =	shalt  }
0x41: {  	_ =	shalt  }
0x42: {  	_ =	shalt  }
0x43: {  	_ =	shalt  }
0x44: {  	_ =	shalt  }
0x45: {  	_ =	shalt  }
0x46: {  	_ =	shalt  }
0x47: {  	_ =	shalt  }
0x48: {  	_ =	shalt  }
0x49: {  	_ =	shalt  }
0x4a: {  	_ =	shalt  }
0x4b: {  	_ =	shalt  }
0x4c: {  	_ =	shalt  }
0x4d: {  	_ =	shalt  }
0x4e: {  	_ =	shalt  }
0x4f: {  	_ =	shalt  }
0x50: {  	_ =	shalt  }
0x51: {  	_ =	shalt  }
0x52: {  	_ =	shalt  }
0x53: {  	_ =	shalt  }
0x54: {  	_ =	shalt  }
0x55: {  	_ =	shalt  }
0x56: {  	_ =	shalt  }
0x57: {  	_ =	shalt  }
0x58: {  	_ =	shalt  }
0x59: {  	_ =	shalt  }
0x5a: {  	_ =	shalt  }
0x5b: {  	_ =	shalt  }
0x5c: {  	_ =	shalt  }
0x5d: {  	_ =	shalt  }
0x5e: {  	_ =	shalt  }
0x5f: {  	_ =	shalt  }
0x60: {  	_ =	shalt  }
0x61: {  	_ =	shalt  }
0x62: {  	_ =	shalt  }
0x63: {  	_ =	shalt  }
0x64: {  	_ =	shalt  }
0x65: {  	_ =	shalt  }
0x66: {  	_ =	shalt  }
0x67: {  	_ =	shalt  }
0x68: {  	_ =	shalt  }
0x69: {  	_ =	shalt  }
0x6a: {  	_ =	shalt  }
0x6b: {  	_ =	shalt  }
0x6c: {  	_ =	shalt  }
0x6d: {  	_ =	shalt  }
0x6e: {  	_ =	shalt  }
0x6f: {  	_ =	shalt  }
0x70: {  	_ =	shalt  }
0x71: {  	_ =	shalt  }
0x72: {  	_ =	shalt  }
0x73: {  	_ =	shalt  }
0x74: {  	_ =	shalt  }
0x75: {  	_ =	shalt  }
0x76: {  	_ =	shalt  }
0x77: {  	_ =	shalt  }
0x78: {  	_ =	shalt  }
0x79: {  	_ =	shalt  }
0x7a: {  	_ =	shalt  }
0x7b: {  	_ =	shalt  }
0x7c: {  	_ =	shalt  }
0x7d: {  	_ =	shalt  }
0x7e: {  	_ =	shalt  }
0x7f: {  	_ =	shalt  }
0x80: {  	_ =	shalt  }
0x81: {  	_ =	shalt  }
0x82: {  	_ =	shalt  }
0x83: {  	_ =	shalt  }
0x84: {  	_ =	shalt  }
0x85: {  	_ =	shalt  }
0x86: {  	_ =	shalt  }
0x87: {  	_ =	shalt  }
.Lfunc_end0:
.L_simem_size_0:
called_computation_lowered:
.L_overlay_start_0:
0x88: {  	s2 =	sld [smem:$0x3FD9]  }
0x89: {  	s3 =	sld [smem:$0x3FFE];
	_ =	sdelay $0x1  }
0x8a: {  	s1 =	srdreg.scid  }
0x8b: {  	s0 =	sand.u32 $0x1, s1  }
0x8c: {  	s17 =	sshll.u32 s0, $0xA;
	s2 =	sadd.s32 s3, s2  }
0x8d: {  	s2 =	sadd.s32 s2, s17  }
0x8e: {  	[smem:$0x3FC2] =	sst s2  }
0x8f: {  	_ = 	snop  }
0x90: {  	s2 =	sld [smem:$0x3FC9]  }
0x91: {  	s18 =	sld [smem:$0x3FD0];
	(tm) =	ssettm $0x1  }
0x92: {  	s4 =	sld [smem:$0x3FFB];
	_ =	sdelay $0x3  }
0x93: {  	_ =	strace s4  }
0x94: {  	s4 =	sld [smem:$0x3FFC];
	_ =	sdelay $0x3  }
0x95: {  	_ =	strace s4  }
0x96: {  	s4 =	sld [smem:$0x3FFD];
	_ =	sdelay $0x3  }
0x97: {  	_ =	strace s4  }
0x98: {  	_ =	strace $0x8FFFFFFF  }
0x99: {  	s19 =	sld [smem:$0x3FDB];
	_ =	sdelay $0x1  }
0x9a: {  	s5 =	simm.s32 $_scs_section_size  }
0x9b: {  	s6 =	simm.s32 $_size__tile_overlayer_lowered;
	s7 =	simm.s32 $_tile_overlayer_lowered  }
0x9c: {  	s22 =	simm.s32 $0x1BFF;
	s21 =	sshll.u32 s7, $0x1;
	s4 =	sadd.s32 s5, s19  }
0x9d: {  	s8 =	simm.s32 $0x0;
	s20 =	sshll.u32 s6, $0x1;
	s6 =	sadd.s32 s21, s4  }
0x9e: {  	[timem:s8], [sflag:s22] =	dma.local [hbm:s6], s20  }
0x9f: {  	_ =	swait.ge [sflag:s22], s20  }
0xa0: {  	s5 =	ssub.s32 $0x0, s20;
	[sflag:s22] =	ssyncset.done $0x0  }
0xa1: {  	[sflag:s22] =	ssyncadd.s32 s5;
	_ =	sdelay $0x1  }
0xa2: {  	s23 =	simm.s32 $0x1B8B  }
0xa3: {  	_ =	swait.ge [sflag:s23], $0x1  }
0xa4: {  	[sflag:s23] =	ssyncset.done $0x0  }
0xa5: {  	s25 =	simm.s32 $0x1B8E;
	s24 =	sld [smem:$0x3FFE];
	[sflag:s23] =	ssyncadd.s32 $0xFFFFFFFF  }
0xa6: {  	s26 =	simm.s32 $execute0_lowered;
	[smem:$0x3FD2] =	sst s25  }
0xa7: {  	s6 =	sshll.u32 s26, $0x1;
	_ =	strace $0x80000046;
	[dreg:$0x1] =	wrdreg $0xFFFFFFFF  }
0xa8: {  	s28 =	simm.s32 $_size_execute0_lowered;
	s4 =	sadd.s32 s4, s6;
	[dreg:$0x0] =	wrdreg $0x0  }
0xa9: {  	s6 =	sshll.u32 s28, $0x1;
	[dreg:$0x2] =	wrdreg s4  }
0xaa: {  	[dreg:$0x3] =	wrdreg s6  }
0xab: {  	[dreg:$0x4] =	wrdreg $0xC0  }
0xac: {  	_ =	task [dreg:s8], $0x5FFFF  }
0xad: {  	[dreg:$0x1] =	wrdreg $0xFFFFFFFF  }
0xae: {  	[dreg:$0x0] =	wrdreg $0x60  }
0xaf: {  	[dreg:$0x2] =	wrdreg s2  }
0xb0: {  	[dreg:$0x3] =	wrdreg s24  }
0xb1: {  	[dreg:$0x4] =	wrdreg s18  }
0xb2: {  	[dreg:$0x5] =	wrdreg $0xB7800  }
0xb3: {  	[dreg:$0x6] =	wrdreg $0x9  }
0xb4: {  	_ =	task.clear_ibuf [dreg:s8], $0x7FFFF;
	_ =	strace $0x90000046  }
0xb5: {  	s29 =	simm.s32 $0x9;
	_ =	strace $0x80000048  }
0xb6: {  	_ =	swait.ge [sflag:s29], $0x1  }
0xb7: {  	[sflag:s29] =	ssyncadd.s32 $0xFFFFFFFF  }
0xb8: {  	_ =	strace $0x90000048  }
0xb9: {  	_ =	sfence  }
0xba: {  	s30 =	sld [smem:$0x0];
	_ =	sdelay $0x2  }
0xbb: {  	s31 =	sshll.u32 s1, $0xD;
	s1 =	sshrl.u32 s1, $0x2  }
0xbc: {  	s3 =	sand.u32 $0x4000, s31;
	s1 =	sadd.s32 s1, s30  }
0xbd: {  	s0 =	sor.u32 s3, s0;
	s1 =	sshll.u32 s1, $0x11  }
0xbe: {  	s0 =	sor.u32 s1, s0  }
0xbf: {  	s0 =	sadd.s32 $0x8F2B, s0  }
0xc0: {  	[sflag:s0] =	ssyncadd.remote.s32 $0x1  }
0xc1: {  	_ =	sfence.sel $0xFFFF  }
0xc2: {  	[dreg:$0x0] =	wrdreg $0xFFFFFFFF;
	(pc) =	sbr.abs _section_cstart, $3  }
0xc3: {  	[dreg:$0x1] =	wrdreg $0xFFFFFFFF  }
0xc4: {  	_ =	task.clear_ibuf [dreg:s8], $0x2FFFF;
	_ =	strace $0x9FFFFFFF  }
0xc5: {  	(tm) =	ssettm $0x7FFFFFFF  }
tec
execute0_lowered:
.L_overlay_start_1:
0x0: {  	(tag) =	ssettag $0x1  }
0x1: {  	s1 =	rddreg [dreg:$0x0]  }
0x2: {  	s2 =	srdreg.scid;
	s6 =	rddreg [dreg:$0x1]  }
0x3: {  	s0 =	stileid.u32;
	s8 =	rddreg [dreg:$0x2]  }
0x4: {  	s3 =	rddreg [dreg:$0x3];
	s14 =	simm.s32 $0x400;
	s15 =	simm.s32 $0x2780  }
0x5: {  	s16 =	simm.s32 $0x50;
	s17 =	simm.s32 $0x6780;
	s18 =	simm.s32 $0x8F80  }
0x6: {  	s19 =	simm.s32 $0x1;
	s20 =	simm.s32 $0x2;
	s21 =	simm.s32 $0x6480  }
0x7: {  	s22 =	simm.s32 $0x26C0;
	s23 =	simm.s32 $0x6500;
	s26 =	smul.u32 $0x2800, s0  }
0x8: {  	s7 =	sand.u32 $0x1, s2;
	s25 =	sshrl.u32 s0, $0x2;
	s13 =	smul.u32 $0x50000, s0  }
0x9: {  	s24 =	sshll.u32 s0, $0x1;
	s2 =	rddreg [dreg:$0x4];
	s5 =	smul.u32 $0x13C00, s25  }
0xa: {  	s31 =	sshll.u32 s0, $0x6;
	s9 =	sor.u32 s7, s24;
	s11 =	smul.u32 $0x28000, s7  }
0xb: {  	s7 =	ssub.s32 $0x2, s7;
	s24 =	simm.s32 $0x6580;
	s25 =	simm.s32 $0x0  }
0xc: {  	s4 =	sshll.u32 s9, $0x7;
	s28 =	sshrl.u32 s7, $0x1;
	s29 =	sshrl.u32 s13, $0x2  }
0xd: {  	s9 =	sshll.u32 s9, $0xB;
	s13 =	simm.s32 $0x80;
	s10 =	sand.u32 $0x380, s4  }
0xe: {  	s4 =	simm.s32 $0x0;
	s30 =	ssub.s32 s7, s28;
	s8 =	sadd.s32 s8, s9  }
0xf: {  	s5 =	sor.u32 s5, s10;
	[smem:$0x7FF] =	sst s4;
	s10 =	sadd.s32 s26, s11  }
0x10: {  	s11 =	sadd.s32 s29, s3;
	s5 =	sshrl.u32 s5, $0x3;
	_ =	strace $0x80000047  }
0x11: {  	s10 =	sadd.s32 s10, s6;
	s11 =	sshrl.u32 s11, $0x3;
	s12 =	sadd.s32 s5, s6  }
0x12: {  	s5 =	sadd.s32 $0xAE00, s6;
	s6 =	sor.u32 $0x1C03, s31;
	s9 =	sadd.s32 $0xD600, s10  }
0x13: {  	s10 =	smax.u32 s30, $0x1;
	s7 =	sadd.s32 $0x1000, s12;
	s12 =	simm.s32 $0x3  }
.LBB2_1:
0x14: {  	[spmem:s11], [sflag:s6] =	dma.local [hbm:s5], $0x2800  }
0x15: {  	_ =	swait.ge [sflag:s12], $0x2800  }
0x16: {  	[sflag:s12] =	ssyncset.done $0x0  }
0x17: {  	[sflag:s12] =	ssyncadd.s32 $0xFFFFD800  }
0x18: {  	[tilespmem:s4], [sflag:$0x3] =	stream.strided.gather [hbm4b:s7+s13], $0x2780, s14, s13, $0x38;
	[tilespmem:$0x1F780] =	vst v63  }
0x19: {  	_ =	swait.ge [sflag:s12], $0x2780  }
0x1a: {  	[sflag:s12] =	ssyncset.done $0x0  }
0x1b: {  	[sflag:s12] =	ssyncadd.s32 $0xFFFFD880  }
0x1c: {  	[tilespmem:s15], [sflag:$0x3] =	stream.linear.gather [hbm4b:s8+s4], $0x3E80, $0x38;
	[tilespmem:$0x1F780] =	vst v63  }
0x1d: {  	_ =	swait.ge [sflag:s12], $0x3E80  }
0x1e: {  	[sflag:s12] =	ssyncset.done $0x0  }
0x1f: {  	[sflag:s12] =	ssyncadd.s32 $0xFFFFC180  }
0x20: {  	[bflag:$0x0] =	sbarrier.arrive $0xFFFF  }
0x21: {  	[tilespmem:s17], [sflag:$0x1] =	stream.indirect.gather [hbm4b:s1+s16], $0x80, s4, s16, $0xb8;
	[tilespmem:$0x1F780] =	vst v63  }
0x22: {  	_ = 	snop  }
0x23: {  	[tilespmem:s18], [sflag:$0x2] =	stream.indirect.gather [hbm4b:s1+s16], $0x80, s16, s16, $0xb8;
	[tilespmem:$0x1F780] =	vst v63  }
0x24: {  	_ =	swait.ge [sflag:s19], $0x2800  }
0x25: {  	[sflag:s19] =	ssyncset.done $0x0  }
0x26: {  	s26 =	simm.s32 $0x2780;
	[sflag:s19] =	ssyncadd.s32 $0xFFFFD800  }
0x27: {  	[spmem:s3] =	stream.indirect.scatter.add.f32 [tilespmem:s17], [sflag:$0x3], $0x80, s26, s16, $0xb8;
	[tilespmem:$0x1F780] =	vst v63  }
0x28: {  	_ =	swait.ge [sflag:s12], $0x2800  }
0x29: {  	[sflag:s12] =	ssyncset.done $0x0  }
0x2a: {  	s30 =	simm.s32 $0xA0;
	[sflag:s12] =	ssyncadd.s32 $0xFFFFD800  }
0x2b: {  	[tilespmem:s17], [sflag:$0x1] =	stream.indirect.gather [hbm4b:s1+s16], $0x80, s30, s16, $0xb8;
	[tilespmem:$0x1F780] =	vst v63  }
0x2c: {  	_ =	swait.ge [sflag:s20], $0x2800  }
0x2d: {  	[sflag:s20] =	ssyncset.done $0x0  }
0x2e: {  	s31 =	simm.s32 $0x2800;
	[sflag:s20] =	ssyncadd.s32 $0xFFFFD800  }
0x2f: {  	[spmem:s3] =	stream.indirect.scatter.add.f32 [tilespmem:s18], [sflag:$0x3], $0x80, s31, s16, $0xb8;
	[tilespmem:$0x1F780] =	vst v63  }
0x30: {  	_ =	swait.ge [sflag:s12], $0x2800  }
0x31: {  	s28 =	simm.s32 $0x400;
	[sflag:s12] =	ssyncset.done $0x0  }
0x32: {  	s29 =	simm.s32 $0x190;
	s26 =	simm.s32 $0xF0;
	[sflag:s12] =	ssyncadd.s32 $0xFFFFD800  }
.LBB2_2:
0x33: {  	[tilespmem:s18], [sflag:$0x2] =	stream.indirect.gather [hbm4b:s1+s16], $0x80, s26, s16, $0xb8;
	[tilespmem:$0x1F780] =	vst v63  }
0x34: {  	s30 =	smov.u32 s28;
	s26 =	smov.u32 s29  }
0x35: {  	p0 =	sne.s32 s28, $0xF000;
	s28 =	sadd.s32 $0x400, s28;
	_ =	swait.ge [sflag:s19], $0x2800  }
0x36: {  	s30 =	sshra.s32 s30, $0x2;
	[sflag:s19] =	ssyncset.done $0x0  }
0x37: {  	s31 =	sadd.s32 $0x2780, s30;
	[sflag:s19] =	ssyncadd.s32 $0xFFFFD800  }
0x38: {  	[spmem:s3] =	stream.indirect.scatter.add.f32 [tilespmem:s17], [sflag:$0x3], $0x80, s31, s16, $0xb8;
	[tilespmem:$0x1F780] =	vst v63  }
0x39: {  	_ =	swait.ge [sflag:s12], $0x2800  }
0x3a: {  	[sflag:s12] =	ssyncset.done $0x0  }
0x3b: {  	s31 =	sadd.s32 $0xFFFFFFB0, s29;
	[sflag:s12] =	ssyncadd.s32 $0xFFFFD800  }
0x3c: {  	[tilespmem:s17], [sflag:$0x1] =	stream.indirect.gather [hbm4b:s1+s16], $0x80, s31, s16, $0xb8;
	[tilespmem:$0x1F780] =	vst v63  }
0x3d: {  	_ =	swait.ge [sflag:s20], $0x2800  }
0x3e: {  	[sflag:s20] =	ssyncset.done $0x0  }
.Ltmp0:
0x3f: {  	s30 =	sadd.s32 $0x2800, s30;
	[sflag:s20] =	ssyncadd.s32 $0xFFFFD800;
	(pc) =	sbr.rel @p0 .LBB2_2-.Ltmp0, $4  }
0x40: {  	[spmem:s3] =	stream.indirect.scatter.add.f32 [tilespmem:s18], [sflag:$0x3], $0x80, s30, s16, $0xb8;
	[tilespmem:$0x1F780] =	vst v63  }
0x41: {  	_ =	swait.ge [sflag:s12], $0x2800  }
0x42: {  	[sflag:s12] =	ssyncset.done $0x0  }
0x43: {  	s29 =	sadd.s32 $0xA0, s29;
	[sflag:s12] =	ssyncadd.s32 $0xFFFFD800  }
0x44: {  	[tilespmem:s18], [sflag:$0x2] =	stream.indirect.gather [hbm4b:s1+s16], $0x80, s26, s16, $0xb8;
	[tilespmem:$0x1F780] =	vst v63  }
0x45: {  	_ =	swait.ge [sflag:s19], $0x2800  }
0x46: {  	[sflag:s19] =	ssyncset.done $0x0  }
0x47: {  	[sflag:s19] =	ssyncadd.s32 $0xFFFFD800  }
0x48: {  	[spmem:s3] =	stream.indirect.scatter.add.f32 [tilespmem:s17], [sflag:$0x3], $0x80, s21, s16, $0xb8;
	[tilespmem:$0x1F780] =	vst v63  }
0x49: {  	_ =	swait.ge [sflag:s12], $0x2800  }
0x4a: {  	[sflag:s12] =	ssyncset.done $0x0  }
0x4b: {  	[sflag:s12] =	ssyncadd.s32 $0xFFFFD800  }
0x4c: {  	[tilespmem:s17], [sflag:$0x1] =	stream.indirect.gather [hbm4b:s1+s16], $0x80, s22, s16, $0xb8;
	[tilespmem:$0x1F780] =	vst v63  }
0x4d: {  	_ =	swait.ge [sflag:s20], $0x2800  }
0x4e: {  	[sflag:s20] =	ssyncset.done $0x0  }
0x4f: {  	[sflag:s20] =	ssyncadd.s32 $0xFFFFD800  }
0x50: {  	[spmem:s3] =	stream.indirect.scatter.add.f32 [tilespmem:s18], [sflag:$0x3], $0x80, s23, s16, $0xb8;
	[tilespmem:$0x1F780] =	vst v63  }
0x51: {  	_ =	swait.ge [sflag:s12], $0x2800  }
0x52: {  	[sflag:s12] =	ssyncset.done $0x0  }
0x53: {  	[sflag:s12] =	ssyncadd.s32 $0xFFFFD800  }
0x54: {  	_ =	swait.ge [sflag:s19], $0x2800  }
0x55: {  	[sflag:s19] =	ssyncset.done $0x0  }
0x56: {  	[sflag:s19] =	ssyncadd.s32 $0xFFFFD800  }
0x57: {  	[spmem:s3] =	stream.indirect.scatter.add.f32 [tilespmem:s17], [sflag:$0x3], $0x80, s24, s16, $0xb8;
	[tilespmem:$0x1F780] =	vst v63  }
0x58: {  	_ =	swait.ge [sflag:s12], $0x2800  }
0x59: {  	s25 =	sadd.s32 $0x1, s25;
	[sflag:s12] =	ssyncset.done $0x0  }
0x5a: {  	p0 =	sne.s32 s25, s10;
	[sflag:s12] =	ssyncadd.s32 $0xFFFFD800  }
.Ltmp1:
0x5b: {  	[bflag:$0x0] =	sbarrier.arrive $0xFFFF;
	(pc) =	sbr.rel @p0 .LBB2_1-.Ltmp1, $4  }
0x5c: {  	[hbm:s9], [sflag:s6] =	dma.local [spmem:s11], $0x2800  }
0x5d: {  	_ =	swait.ge [sflag:s12], $0x2800  }
0x5e: {  	[sflag:s12] =	ssyncset.done $0x0  }
0x5f: {  	[sflag:s12] =	ssyncadd.s32 $0xFFFFD800  }
0x60: {  	_ =	sfence.sel $0x180000  }
0x61: {  	[bflag:$0x0] =	sbarrier.arrive $0xFFFF  }
0x62: {  	p0 =	sne.s32 s0, $0x0;
	_ =	strace $0x90000047  }
0x63: {  	s0 =	sadd.s32 @!p0 $0x100000, s2;
	[bflag:$0x2] =	sbarrier.arrive $0xFFFF  }
0x64: {  	[sflag:s0] =	ssyncadd.tile.s32 @!p0 $0x1;
	_ =	shalt  }
.Lfunc_end2:
_tile_overlayer_lowered:
.L_overlay_start_2:
0x65: {  	(tag) =	ssettag $0x2  }
0x66: {  	s0 =	rddreg [dreg:$0x0];
	s2 =	stileid.u32  }
0x67: {  	s1 =	rddreg [dreg:$0x1];
	p0 =	sne.s32 s2, $0x0  }
0x68: {  	s3 =	rddreg [dreg:$0x2];
	[bflag:$0x3] =	sbarrier.arrive $0xFFFF;
	s2 =	simm.s32 @!p0 $0x1C03  }
0x69: {  	[timem:s3], [sflag:s2] =	dma.local @!p0 [hbm:s0], s1  }
0x6a: {  	s0 =	simm.s32 @!p0 $0x3  }
0x6b: {  	_ =	swait.ge @!p0 [sflag:s0], s1  }
0x6c: {  	s1 =	ssub.s32 @!p0 $0x0, s1;
	[sflag:s0] =	ssyncset.done @!p0 $0x0  }
0x6d: {  	[sflag:s0] =	ssyncadd.s32 @!p0 s1  }
0x6e: {  	[bflag:$0x3] =	sbarrier.arrive $0xFFFF  }
0x6f: {  	_ =	shalt  }

</sc_bundles>
